<compile_context>
chip_gen: v7x
topology: tpu7x:2x2x1
jax: 0.10.2.dev20260603
libtpu: 0.0.44.dev20260713+nightly
codegen_flags: <defaults>
</compile_context>

<pallas_src>
import functools

import jax
import jax.numpy as jnp
from jax import lax
from jax.experimental import pallas as pl
from jax.experimental.pallas import tpu as pltpu
from jax.experimental.pallas import tpu_sc as plsc

P = 4
K = 512
D_IN = 256
D_DICT = 256
H = 512
B = 1024

_NT = (((1,), (1,)), ((), ()))
_NN = (((1,), (0,)), ((), ()))


def _row_sum_tree(a):
    at = jnp.transpose(a)
    acc = at[0:8, :]
    for i in range(1, at.shape[0] // 8):
        acc = acc + at[8 * i:8 * i + 8, :]
    acc = acc[0:4, :] + acc[4:8, :]
    acc = acc[0:2, :] + acc[2:4, :]
    return jnp.transpose(acc[0:1, :] + acc[1:2, :])


def _col_sum_tree(a):
    a = a[0:128, :] + a[128:256, :]
    acc = a[0:8, :]
    for i in range(1, 16):
        acc = acc + a[8 * i:8 * i + 8, :]
    acc = acc[0:4, :] + acc[4:8, :]
    acc = acc[0:2, :] + acc[2:4, :]
    return acc[0:1, :] + acc[1:2, :]


def _head_body(x_ref, w1_ref, b1_ref, w2_ref, b2_ref, emb_ref,
               dist_ref, idx_ref, a_ref, loss_ref, ave_ref, aacc_ref):
    p = pl.program_id(0)
    x = x_ref[...]
    h = jnp.maximum(
        lax.dot_general(x, w1_ref[0], _NN, preferred_element_type=jnp.float32)
        + b1_ref[0], 0.0)
    z = (lax.dot_general(h, w2_ref[0], _NN, preferred_element_type=jnp.float32)
         + b2_ref[0])
    e = emb_ref[0]
    mm = lax.dot_general(z, e, _NT, preferred_element_type=jnp.float32)
    zsq = _row_sum_tree(z * z)
    esq = _col_sum_tree(jnp.transpose(e * e))
    d = (zsq + esq) - 2.0 * mm
    dist_ref[0] = d

    @pl.when(p == 0)
    def _():
        ave_ref[...] = d
        aacc_ref[...] = e

    @pl.when(p > 0)
    def _():
        ave_ref[...] = ave_ref[...] + d
        aacc_ref[...] = aacc_ref[...] + e

    @pl.when(p == P - 1)
    def _():
        ave = ave_ref[...] * (1.0 / P)
        m = jnp.min(ave, axis=1, keepdims=True)
        kiota = lax.broadcasted_iota(jnp.int32, (B, K), 1)
        idx_ref[...] = jnp.min(jnp.where(ave == m, kiota, K),
                               axis=1, keepdims=True)
        a = aacc_ref[...] * (1.0 / P)
        a_ref[...] = a
        asq = jnp.sum(a * a, axis=1, keepdims=True)
        xsq = jnp.sum(x * x, axis=1)[None, :]
        lmm = lax.dot_general(a, x, _NT, preferred_element_type=jnp.float32)
        base = (asq + xsq) - 2.0 * lmm
        loss_ref[...] = base + 0.25 * base


def _heads(x, W1, b1, W2, b2, emb):
    return pl.pallas_call(
        _head_body,
        grid=(P,),
        in_specs=[
            pl.BlockSpec((B, D_IN), lambda p: (0, 0)),
            pl.BlockSpec((1, D_IN, H), lambda p: (p, 0, 0)),
            pl.BlockSpec((1, 1, H), lambda p: (p, 0, 0)),
            pl.BlockSpec((1, H, D_DICT), lambda p: (p, 0, 0)),
            pl.BlockSpec((1, 1, D_DICT), lambda p: (p, 0, 0)),
            pl.BlockSpec((1, K, D_DICT), lambda p: (p, 0, 0)),
        ],
        out_specs=[
            pl.BlockSpec((1, B, K), lambda p: (p, 0, 0)),
            pl.BlockSpec((B, 1), lambda p: (0, 0)),
            pl.BlockSpec((K, D_DICT), lambda p: (0, 0)),
            pl.BlockSpec((K, B), lambda p: (0, 0)),
        ],
        out_shape=[
            jax.ShapeDtypeStruct((P, B, K), jnp.float32),
            jax.ShapeDtypeStruct((B, 1), jnp.int32),
            jax.ShapeDtypeStruct((K, D_DICT), jnp.float32),
            jax.ShapeDtypeStruct((K, B), jnp.float32),
        ],
        scratch_shapes=[
            pltpu.VMEM((B, K), jnp.float32),
            pltpu.VMEM((K, D_DICT), jnp.float32),
        ],
    )(x, W1, b1.reshape(P, 1, H), W2, b2.reshape(P, 1, D_DICT), emb)


_KB = 16


def _bcast_body(a_ref, out_ref):
    out_ref[...] = jnp.broadcast_to(a_ref[...][:, None, :], (_KB, B, D_DICT))


def _bcast(a):
    return pl.pallas_call(
        _bcast_body,
        grid=(K // _KB,),
        in_specs=[pl.BlockSpec((_KB, D_DICT), lambda i: (i, 0))],
        out_specs=pl.BlockSpec((_KB, B, D_DICT), lambda i: (i, 0, 0)),
        out_shape=jax.ShapeDtypeStruct((K, B, D_DICT), jnp.float32),
    )(a)


@functools.cache
def _sc_gather2_fn():
    info = plsc.get_sparse_core_info()
    nc, ns = info.num_cores, info.num_subcores
    nw = nc * ns
    bpw = B // nw
    mesh = plsc.VectorSubcoreMesh(core_axis_name="c", subcore_axis_name="s")

    @functools.partial(
        pl.kernel,
        mesh=mesh,
        out_type=[
            jax.ShapeDtypeStruct((B, D_DICT), jnp.float32),
            jax.ShapeDtypeStruct((B, D_DICT), jnp.float32),
        ],
        scratch_types=[
            pltpu.VMEM((bpw,), jnp.int32),
            pltpu.VMEM((bpw,), jnp.int32),
            pltpu.VMEM((bpw, D_DICT), jnp.float32),
            pltpu.VMEM((bpw, D_DICT), jnp.float32),
            pltpu.SemaphoreType.DMA,
            pltpu.SemaphoreType.DMA,
        ],
    )
    def sc_gather2(table_hbm, idx_hbm, lg_hbm, out1_hbm, out2_hbm,
                   idx_v, lg_v, rows1_v, rows2_v, sem1, sem2):
        wid = lax.axis_index("s") * nc + lax.axis_index("c")
        base = wid * bpw
        pltpu.sync_copy(idx_hbm.at[pl.ds(base, bpw)], idx_v)
        pltpu.sync_copy(lg_hbm.at[pl.ds(base, bpw)], lg_v)
        g1 = pltpu.async_copy(table_hbm.at[idx_v], rows1_v, sem1)
        g2 = pltpu.async_copy(table_hbm.at[lg_v], rows2_v, sem2)
        g1.wait()
        w1 = pltpu.async_copy(rows1_v, out1_hbm.at[pl.ds(base, bpw)], sem1)
        g2.wait()
        w2 = pltpu.async_copy(rows2_v, out2_hbm.at[pl.ds(base, bpw)], sem2)
        w1.wait()
        w2.wait()

    return sc_gather2


def kernel(inputs, label_gen, emb, W1, b1, W2, b2):
    x = inputs
    dist, idx2d, a, all_vq_loss = _heads(x, W1, b1, W2, b2, emb)
    idx = idx2d.reshape(B)
    vq_z, changed_vq_z = _sc_gather2_fn()(a, idx, label_gen.astype(jnp.int32))
    all_vq_z = _bcast(a)
    return (vq_z, dist, all_vq_z, all_vq_loss, changed_vq_z)

# --- scband reference (transcript-rebuilt; emitter-appended) ---
"""Pipeline reference for scband-vqmodule-9955734192565 (READ-ONLY COPY).

The authoritative reference and input builder live on the scoring server;
editing this copy changes nothing except your own understanding.
"""

import jax, jax.numpy as jnp
import numpy as np

P = 4
K = 512
D_IN = 256
D_DICT = 256
H = 512
B = 1024

def setup_inputs(seed: int = 0) -> dict:
    key = jax.random.key(seed)
    ks = jax.random.split(key, 8)
    inputs = jax.random.normal(ks[0], (B, D_IN), dtype=jnp.float32)
    label_gen = jax.random.randint(ks[1], (B,), 0, K)
    emb = jax.random.uniform(ks[2], (P, K, D_DICT), minval=-1.0 / K, maxval=1.0 / K, dtype=jnp.float32)
    W1 = jax.random.normal(ks[3], (P, D_IN, H), dtype=jnp.float32) / np.sqrt(D_IN)
    b1 = jnp.zeros((P, H), dtype=jnp.float32)
    W2 = jax.random.normal(ks[4], (P, H, D_DICT), dtype=jnp.float32) / np.sqrt(H)
    b2 = jnp.zeros((P, D_DICT), dtype=jnp.float32)
    return {"inputs": inputs, "label_gen": label_gen, "emb": emb, "W1": W1, "b1": b1, "W2": W2, "b2": b2}

def reference(inputs, label_gen, emb, W1, b1, W2, b2):
    x = inputs
    # per-head MLP: linear2(relu(linear1(x)))  -> multi_input_z [P, B, D]
    h = jax.nn.relu(jnp.einsum('bi,pih->pbh', x, W1) + b1[:, None, :])
    z = jnp.einsum('pbh,phd->pbd', h, W2) + b2[:, None, :]
    # squared-distance to each head's codebook: [P, B, K]
    dist = (jnp.sum(z ** 2, axis=2, keepdims=True)
            + jnp.sum(emb ** 2, axis=2)[:, None, :]
            - 2.0 * jnp.einsum('pbd,pkd->pbk', z, emb))
    ave = jnp.mean(dist, axis=0)  # [B, K]
    idx = jnp.argmin(ave, axis=1)  # [B]
    onehot = jax.nn.one_hot(idx, K, dtype=jnp.float32)  # min_encodings
    vq = jnp.mean(jnp.einsum('bk,pkd->pbd', onehot, emb), axis=0)  # [B, D]
    vq_z = x + jax.lax.stop_gradient(vq - x)  # straight-through
    # all_vq_z[j] = mean over heads of codeword j -> A [K, D]
    A = jnp.mean(emb, axis=0)
    sgx = jax.lax.stop_gradient(x)
    sgA = jax.lax.stop_gradient(A)
    # sum((A_j - sg(x))^2, d) expanded via matmul (exact same math)
    loss1 = (jnp.sum(A ** 2, axis=1)[:, None] + jnp.sum(sgx ** 2, axis=1)[None, :]
             - 2.0 * jnp.einsum('kd,bd->kb', A, sgx))
    loss2 = (jnp.sum(sgA ** 2, axis=1)[:, None] + jnp.sum(x ** 2, axis=1)[None, :]
             - 2.0 * jnp.einsum('kd,bd->kb', sgA, x))
    all_vq_loss = loss1 + 0.25 * loss2  # [K, B]
    all_vq_z = x[None, :, :] + jax.lax.stop_gradient(A[:, None, :] - x[None, :, :])  # [K, B, D]
    changed_vq_z = jnp.mean(emb[:, label_gen, :], axis=0)  # [B, D]
    return (vq_z, dist, all_vq_z, all_vq_loss, changed_vq_z)

if __name__ == "__main__":
    import jax
    _d = setup_inputs()
    print(jax.jit(kernel)(*tuple(_d.values())))

</pallas_src>

<mosaic_0001>
#map = affine_map<(d0, d1) -> (0, 0)>
#map1 = affine_map<(d0, d1) -> (0)>
module attributes {stable_mosaic.version = 14 : i64} {
  func.func @sc_gather2(%arg0: i32, %arg1: i32, %arg2: memref<512x256xf32, #tpu.memory_space<hbm>>, %arg3: memref<1024xi32, #tpu.memory_space<hbm>>, %arg4: memref<1024xi32, #tpu.memory_space<hbm>>, %arg5: memref<1024x256xf32, #tpu.memory_space<hbm>>, %arg6: memref<1024x256xf32, #tpu.memory_space<hbm>>, %arg7: memref<32xi32, #tpu.memory_space<vmem>>, %arg8: memref<32xi32, #tpu.memory_space<vmem>>, %arg9: memref<32x256xf32, #tpu.memory_space<vmem>>, %arg10: memref<32x256xf32, #tpu.memory_space<vmem>>, %arg11: memref<!tpu.dma_semaphore, #tpu.memory_space<semaphore_mem>>, %arg12: memref<!tpu.dma_semaphore, #tpu.memory_space<semaphore_mem>>) attributes {dimension_semantics = [#tpu.dimension_semantics<core_parallel>, #tpu.dimension_semantics<subcore_parallel>], iteration_bounds = array<i64: 2, 16>, scalar_prefetch = 0 : i64, scratch_operands = 6 : i64, tpu.core_type = #tpu.core_type<sc_vector_subcore>, window_params = [{transform_indices = #map}, {transform_indices = #map1}, {transform_indices = #map1}, {transform_indices = #map}, {transform_indices = #map}]} {
    %mul3A = arith.constant 2 : i32
    %mul3A_0 = arith.muli %arg1, %mul3A : i32
    %add3A = arith.addi %mul3A_0, %arg0 : i32
    %mul3A_1 = arith.constant 32 : i32
    %mul3A_2 = arith.muli %add3A, %mul3A_1 : i32
    "tpu.region"() ({
      %run_scoped3A = tpu.sem_alloc : memref<!tpu.dma_semaphore, #tpu.memory_space<semaphore_mem>>
      %dma_start3A_29 = tpu.memref_slice %arg3[%mul3A_2] : memref<1024xi32, #tpu.memory_space<hbm>> -> memref<32xi32, #tpu.memory_space<hbm>>
      %dma_start3A_30 = tpu.memref_slice %arg3[%mul3A_2] : memref<1024xi32, #tpu.memory_space<hbm>> -> memref<32xi32, #tpu.memory_space<hbm>>
      tpu.enqueue_dma source(%dma_start3A_30 : memref<32xi32, #tpu.memory_space<hbm>>) target(%arg7 : memref<32xi32, #tpu.memory_space<vmem>>) target_semaphore(%run_scoped3A : memref<!tpu.dma_semaphore, #tpu.memory_space<semaphore_mem>>)
      %dma_wait3A_31 = tpu.memref_slice %arg3[%mul3A_2] : memref<1024xi32, #tpu.memory_space<hbm>> -> memref<32xi32, #tpu.memory_space<hbm>>
      %dma_wait3A_32 = tpu.memref_slice %arg3[%mul3A_2] : memref<1024xi32, #tpu.memory_space<hbm>> -> memref<32xi32, #tpu.memory_space<hbm>>
      tpu.wait_dma2 semaphore(%run_scoped3A : memref<!tpu.dma_semaphore, #tpu.memory_space<semaphore_mem>>) src(%dma_wait3A_32 : memref<32xi32, #tpu.memory_space<hbm>>) dst(%arg7 : memref<32xi32, #tpu.memory_space<vmem>>)
      tpu.yield
    }) : () -> ()
    "tpu.region"() ({
      %run_scoped3A = tpu.sem_alloc : memref<!tpu.dma_semaphore, #tpu.memory_space<semaphore_mem>>
      %dma_start3A_29 = tpu.memref_slice %arg4[%mul3A_2] : memref<1024xi32, #tpu.memory_space<hbm>> -> memref<32xi32, #tpu.memory_space<hbm>>
      %dma_start3A_30 = tpu.memref_slice %arg4[%mul3A_2] : memref<1024xi32, #tpu.memory_space<hbm>> -> memref<32xi32, #tpu.memory_space<hbm>>
      tpu.enqueue_dma source(%dma_start3A_30 : memref<32xi32, #tpu.memory_space<hbm>>) target(%arg8 : memref<32xi32, #tpu.memory_space<vmem>>) target_semaphore(%run_scoped3A : memref<!tpu.dma_semaphore, #tpu.memory_space<semaphore_mem>>)
      %dma_wait3A_31 = tpu.memref_slice %arg4[%mul3A_2] : memref<1024xi32, #tpu.memory_space<hbm>> -> memref<32xi32, #tpu.memory_space<hbm>>
      %dma_wait3A_32 = tpu.memref_slice %arg4[%mul3A_2] : memref<1024xi32, #tpu.memory_space<hbm>> -> memref<32xi32, #tpu.memory_space<hbm>>
      tpu.wait_dma2 semaphore(%run_scoped3A : memref<!tpu.dma_semaphore, #tpu.memory_space<semaphore_mem>>) src(%dma_wait3A_32 : memref<32xi32, #tpu.memory_space<hbm>>) dst(%arg8 : memref<32xi32, #tpu.memory_space<vmem>>)
      tpu.yield
    }) : () -> ()
    %dma_start3A = arith.constant 0 : i32
    %dma_start3A_3 = arith.constant 0 : i32
    %dma_start3A_4 = tpu.memref_slice %arg2[%dma_start3A, %dma_start3A_3] : memref<512x256xf32, #tpu.memory_space<hbm>> -> memref<512x256xf32, #tpu.memory_space<hbm>>
    tpu.enqueue_indirect_dma source(%dma_start3A_4 : memref<512x256xf32, #tpu.memory_space<hbm>>) target(%arg9 : memref<32x256xf32, #tpu.memory_space<vmem>>) offsets(%arg7 : memref<32xi32, #tpu.memory_space<vmem>>) semaphore(%arg11 : memref<!tpu.dma_semaphore, #tpu.memory_space<semaphore_mem>>)
    %dma_start3A_5 = arith.constant 0 : i32
    %dma_start3A_6 = arith.constant 0 : i32
    %dma_start3A_7 = tpu.memref_slice %arg2[%dma_start3A_5, %dma_start3A_6] : memref<512x256xf32, #tpu.memory_space<hbm>> -> memref<512x256xf32, #tpu.memory_space<hbm>>
    tpu.enqueue_indirect_dma source(%dma_start3A_7 : memref<512x256xf32, #tpu.memory_space<hbm>>) target(%arg10 : memref<32x256xf32, #tpu.memory_space<vmem>>) offsets(%arg8 : memref<32xi32, #tpu.memory_space<vmem>>) semaphore(%arg12 : memref<!tpu.dma_semaphore, #tpu.memory_space<semaphore_mem>>)
    %dma_wait3A = arith.constant 0 : i32
    %dma_wait3A_8 = arith.constant 0 : i32
    %dma_wait3A_9 = tpu.memref_slice %arg2[%dma_wait3A, %dma_wait3A_8] : memref<512x256xf32, #tpu.memory_space<hbm>> -> memref<512x256xf32, #tpu.memory_space<hbm>>
    tpu.wait_indirect_dma semaphore(%arg11 : memref<!tpu.dma_semaphore, #tpu.memory_space<semaphore_mem>>) src(%dma_wait3A_9 : memref<512x256xf32, #tpu.memory_space<hbm>>) dst(%arg9 : memref<32x256xf32, #tpu.memory_space<vmem>>)
    %dma_start3A_10 = arith.constant 0 : i32
    %dma_start3A_11 = tpu.memref_slice %arg5[%mul3A_2, %dma_start3A_10] : memref<1024x256xf32, #tpu.memory_space<hbm>> -> memref<32x256xf32, #tpu.memory_space<hbm>>
    %dma_start3A_12 = arith.constant 0 : i32
    %dma_start3A_13 = tpu.memref_slice %arg5[%mul3A_2, %dma_start3A_12] : memref<1024x256xf32, #tpu.memory_space<hbm>> -> memref<32x256xf32, #tpu.memory_space<hbm>>
    tpu.enqueue_dma source(%arg9 : memref<32x256xf32, #tpu.memory_space<vmem>>) target(%dma_start3A_13 : memref<32x256xf32, #tpu.memory_space<hbm>>) target_semaphore(%arg11 : memref<!tpu.dma_semaphore, #tpu.memory_space<semaphore_mem>>)
    %dma_wait3A_14 = arith.constant 0 : i32
    %dma_wait3A_15 = arith.constant 0 : i32
    %dma_wait3A_16 = tpu.memref_slice %arg2[%dma_wait3A_14, %dma_wait3A_15] : memref<512x256xf32, #tpu.memory_space<hbm>> -> memref<512x256xf32, #tpu.memory_space<hbm>>
    tpu.wait_indirect_dma semaphore(%arg12 : memref<!tpu.dma_semaphore, #tpu.memory_space<semaphore_mem>>) src(%dma_wait3A_16 : memref<512x256xf32, #tpu.memory_space<hbm>>) dst(%arg10 : memref<32x256xf32, #tpu.memory_space<vmem>>)
    %dma_start3A_17 = arith.constant 0 : i32
    %dma_start3A_18 = tpu.memref_slice %arg6[%mul3A_2, %dma_start3A_17] : memref<1024x256xf32, #tpu.memory_space<hbm>> -> memref<32x256xf32, #tpu.memory_space<hbm>>
    %dma_start3A_19 = arith.constant 0 : i32
    %dma_start3A_20 = tpu.memref_slice %arg6[%mul3A_2, %dma_start3A_19] : memref<1024x256xf32, #tpu.memory_space<hbm>> -> memref<32x256xf32, #tpu.memory_space<hbm>>
    tpu.enqueue_dma source(%arg10 : memref<32x256xf32, #tpu.memory_space<vmem>>) target(%dma_start3A_20 : memref<32x256xf32, #tpu.memory_space<hbm>>) target_semaphore(%arg12 : memref<!tpu.dma_semaphore, #tpu.memory_space<semaphore_mem>>)
    %dma_wait3A_21 = arith.constant 0 : i32
    %dma_wait3A_22 = tpu.memref_slice %arg5[%mul3A_2, %dma_wait3A_21] : memref<1024x256xf32, #tpu.memory_space<hbm>> -> memref<32x256xf32, #tpu.memory_space<hbm>>
    %dma_wait3A_23 = arith.constant 0 : i32
    %dma_wait3A_24 = tpu.memref_slice %arg5[%mul3A_2, %dma_wait3A_23] : memref<1024x256xf32, #tpu.memory_space<hbm>> -> memref<32x256xf32, #tpu.memory_space<hbm>>
    tpu.wait_dma2 semaphore(%arg11 : memref<!tpu.dma_semaphore, #tpu.memory_space<semaphore_mem>>) src(%arg9 : memref<32x256xf32, #tpu.memory_space<vmem>>) dst(%dma_wait3A_24 : memref<32x256xf32, #tpu.memory_space<hbm>>)
    %dma_wait3A_25 = arith.constant 0 : i32
    %dma_wait3A_26 = tpu.memref_slice %arg6[%mul3A_2, %dma_wait3A_25] : memref<1024x256xf32, #tpu.memory_space<hbm>> -> memref<32x256xf32, #tpu.memory_space<hbm>>
    %dma_wait3A_27 = arith.constant 0 : i32
    %dma_wait3A_28 = tpu.memref_slice %arg6[%mul3A_2, %dma_wait3A_27] : memref<1024x256xf32, #tpu.memory_space<hbm>> -> memref<32x256xf32, #tpu.memory_space<hbm>>
    tpu.wait_dma2 semaphore(%arg12 : memref<!tpu.dma_semaphore, #tpu.memory_space<semaphore_mem>>) src(%arg10 : memref<32x256xf32, #tpu.memory_space<vmem>>) dst(%dma_wait3A_28 : memref<32x256xf32, #tpu.memory_space<hbm>>)
    return
  }
}

module attributes {stable_mosaic.version = 14 : i64} {
  func.func @_head_body(%arg0: i32, %arg1: memref<1024x256xf32, #tpu.memory_space<vmem>>, %arg2: memref<1x256x512xf32, #tpu.memory_space<vmem>>, %arg3: memref<1x1x512xf32, #tpu.memory_space<vmem>>, %arg4: memref<1x512x256xf32, #tpu.memory_space<vmem>>, %arg5: memref<1x1x256xf32, #tpu.memory_space<vmem>>, %arg6: memref<1x512x256xf32, #tpu.memory_space<vmem>>, %arg7: memref<1x1024x512xf32, #tpu.memory_space<vmem>>, %arg8: memref<1024x1xi32, #tpu.memory_space<vmem>>, %arg9: memref<512x256xf32, #tpu.memory_space<vmem>>, %arg10: memref<512x1024xf32, #tpu.memory_space<vmem>>, %arg11: memref<1024x512xf32, #tpu.memory_space<vmem>>, %arg12: memref<512x256xf32, #tpu.memory_space<vmem>>) attributes {dimension_semantics = [#tpu.dimension_semantics<arbitrary>], iteration_bounds = array<i64: 4>, scalar_prefetch = 0 : i64, scratch_operands = 2 : i64, tpu.core_type = #tpu.core_type<tc>, window_params = [{pipeline_mode = #tpu.pipeline_mode<synchronous>, transform_indices = @transform_0, window_bounds = array<i64: 1024, 256>}, {transform_indices = @transform_1, window_bounds = array<i64: 1, 256, 512>}, {transform_indices = @transform_2, window_bounds = array<i64: 1, 1, 512>}, {transform_indices = @transform_3, window_bounds = array<i64: 1, 512, 256>}, {transform_indices = @transform_4, window_bounds = array<i64: 1, 1, 256>}, {transform_indices = @transform_5, window_bounds = array<i64: 1, 512, 256>}, {transform_indices = @transform_6, window_bounds = array<i64: 1, 1024, 512>}, {pipeline_mode = #tpu.pipeline_mode<synchronous>, transform_indices = @transform_7, window_bounds = array<i64: 1024, 1>}, {pipeline_mode = #tpu.pipeline_mode<synchronous>, transform_indices = @transform_8, window_bounds = array<i64: 512, 256>}, {pipeline_mode = #tpu.pipeline_mode<synchronous>, transform_indices = @transform_9, window_bounds = array<i64: 512, 1024>}]} {
    %get3A = arith.constant 0 : index
    %get3A_0 = arith.constant 0 : index
    %get3A_1 = vector.load %arg1[%get3A, %get3A_0] : memref<1024x256xf32, #tpu.memory_space<vmem>>, vector<1024x256xf32>
    %get3A_2 = arith.constant 0 : index
    %get3A_3 = arith.constant 0 : index
    %get3A_4 = arith.constant 0 : index
    %get3A_5 = vector.load %arg2[%get3A_2, %get3A_3, %get3A_4] : memref<1x256x512xf32, #tpu.memory_space<vmem>>, vector<1x256x512xf32>
    %get3A_6 = vector.shape_cast %get3A_5 : vector<1x256x512xf32> to vector<256x512xf32>
    %dot_general3A = arith.constant dense<0.000000e+00> : vector<1024x512xf32>
    %dot_general3A_7 = tpu.matmul %get3A_1, %get3A_6, %dot_general3A {dimension_numbers = #tpu.dot_dimension_numbers<[1], [0], [0], [1], [0, 0, 1, 1], [], []>, transpose_lhs_hint = false} : vector<1024x256xf32>, vector<256x512xf32>, vector<1024x512xf32> -> vector<1024x512xf32>
    %get3A_8 = arith.constant 0 : index
    %get3A_9 = arith.constant 0 : index
    %get3A_10 = arith.constant 0 : index
    %get3A_11 = vector.load %arg3[%get3A_8, %get3A_9, %get3A_10] : memref<1x1x512xf32, #tpu.memory_space<vmem>>, vector<1x1x512xf32>
    %get3A_12 = vector.shape_cast %get3A_11 : vector<1x1x512xf32> to vector<1x512xf32>
    %add3A = vector.broadcast %get3A_12 : vector<1x512xf32> to vector<1024x512xf32>
    %add3A_13 = arith.addf %dot_general3A_7, %add3A : vector<1024x512xf32>
    %max3A = arith.constant 0.000000e+00 : f32
    %max3A_14 = vector.broadcast %max3A : f32 to vector<1024x512xf32>
    %max3A_15 = arith.maximumf %add3A_13, %max3A_14 : vector<1024x512xf32>
    %get3A_16 = arith.constant 0 : index
    %get3A_17 = arith.constant 0 : index
    %get3A_18 = arith.constant 0 : index
    %get3A_19 = vector.load %arg4[%get3A_16, %get3A_17, %get3A_18] : memref<1x512x256xf32, #tpu.memory_space<vmem>>, vector<1x512x256xf32>
    %get3A_20 = vector.shape_cast %get3A_19 : vector<1x512x256xf32> to vector<512x256xf32>
    %dot_general3A_21 = arith.constant dense<0.000000e+00> : vector<1024x256xf32>
    %dot_general3A_22 = tpu.matmul %max3A_15, %get3A_20, %dot_general3A_21 {dimension_numbers = #tpu.dot_dimension_numbers<[1], [0], [0], [1], [0, 0, 1, 1], [], []>, transpose_lhs_hint = false} : vector<1024x512xf32>, vector<512x256xf32>, vector<1024x256xf32> -> vector<1024x256xf32>
    %get3A_23 = arith.constant 0 : index
    %get3A_24 = arith.constant 0 : index
    %get3A_25 = arith.constant 0 : index
    %get3A_26 = vector.load %arg5[%get3A_23, %get3A_24, %get3A_25] : memref<1x1x256xf32, #tpu.memory_space<vmem>>, vector<1x1x256xf32>
    %get3A_27 = vector.shape_cast %get3A_26 : vector<1x1x256xf32> to vector<1x256xf32>
    %add3A_28 = vector.broadcast %get3A_27 : vector<1x256xf32> to vector<1024x256xf32>
    %add3A_29 = arith.addf %dot_general3A_22, %add3A_28 : vector<1024x256xf32>
    %get3A_30 = arith.constant 0 : index
    %get3A_31 = arith.constant 0 : index
    %get3A_32 = arith.constant 0 : index
    %get3A_33 = vector.load %arg6[%get3A_30, %get3A_31, %get3A_32] : memref<1x512x256xf32, #tpu.memory_space<vmem>>, vector<1x512x256xf32>
    %get3A_34 = vector.shape_cast %get3A_33 : vector<1x512x256xf32> to vector<512x256xf32>
    %dot_general3A_35 = arith.constant dense<0.000000e+00> : vector<1024x512xf32>
    %dot_general3A_36 = tpu.matmul %add3A_29, %get3A_34, %dot_general3A_35 {dimension_numbers = #tpu.dot_dimension_numbers<[1], [1], [0], [0], [0, 0, 1, 0], [], []>, transpose_lhs_hint = false} : vector<1024x256xf32>, vector<512x256xf32>, vector<1024x512xf32> -> vector<1024x512xf32>
    %mul3A = arith.mulf %add3A_29, %add3A_29 : vector<1024x256xf32>
    %transpose3A = tpu.transpose %mul3A, [1, 0] : vector<1024x256xf32> -> vector<256x1024xf32>
    %slice3A = vector.extract_strided_slice %transpose3A {offsets = [0, 0], sizes = [8, 1024], strides = [1, 1]} : vector<256x1024xf32> to vector<8x1024xf32>
    %slice3A_37 = vector.extract_strided_slice %transpose3A {offsets = [8, 0], sizes = [8, 1024], strides = [1, 1]} : vector<256x1024xf32> to vector<8x1024xf32>
    %add3A_38 = arith.addf %slice3A, %slice3A_37 : vector<8x1024xf32>
    %slice3A_39 = vector.extract_strided_slice %transpose3A {offsets = [16, 0], sizes = [8, 1024], strides = [1, 1]} : vector<256x1024xf32> to vector<8x1024xf32>
    %add3A_40 = arith.addf %add3A_38, %slice3A_39 : vector<8x1024xf32>
    %slice3A_41 = vector.extract_strided_slice %transpose3A {offsets = [24, 0], sizes = [8, 1024], strides = [1, 1]} : vector<256x1024xf32> to vector<8x1024xf32>
    %add3A_42 = arith.addf %add3A_40, %slice3A_41 : vector<8x1024xf32>
    %slice3A_43 = vector.extract_strided_slice %transpose3A {offsets = [32, 0], sizes = [8, 1024], strides = [1, 1]} : vector<256x1024xf32> to vector<8x1024xf32>
    %add3A_44 = arith.addf %add3A_42, %slice3A_43 : vector<8x1024xf32>
    %slice3A_45 = vector.extract_strided_slice %transpose3A {offsets = [40, 0], sizes = [8, 1024], strides = [1, 1]} : vector<256x1024xf32> to vector<8x1024xf32>
    %add3A_46 = arith.addf %add3A_44, %slice3A_45 : vector<8x1024xf32>
    %slice3A_47 = vector.extract_strided_slice %transpose3A {offsets = [48, 0], sizes = [8, 1024], strides = [1, 1]} : vector<256x1024xf32> to vector<8x1024xf32>
    %add3A_48 = arith.addf %add3A_46, %slice3A_47 : vector<8x1024xf32>
    %slice3A_49 = vector.extract_strided_slice %transpose3A {offsets = [56, 0], sizes = [8, 1024], strides = [1, 1]} : vector<256x1024xf32> to vector<8x1024xf32>
    %add3A_50 = arith.addf %add3A_48, %slice3A_49 : vector<8x1024xf32>
    %slice3A_51 = vector.extract_strided_slice %transpose3A {offsets = [64, 0], sizes = [8, 1024], strides = [1, 1]} : vector<256x1024xf32> to vector<8x1024xf32>
    %add3A_52 = arith.addf %add3A_50, %slice3A_51 : vector<8x1024xf32>
    %slice3A_53 = vector.extract_strided_slice %transpose3A {offsets = [72, 0], sizes = [8, 1024], strides = [1, 1]} : vector<256x1024xf32> to vector<8x1024xf32>
    %add3A_54 = arith.addf %add3A_52, %slice3A_53 : vector<8x1024xf32>
    %slice3A_55 = vector.extract_strided_slice %transpose3A {offsets = [80, 0], sizes = [8, 1024], strides = [1, 1]} : vector<256x1024xf32> to vector<8x1024xf32>
    %add3A_56 = arith.addf %add3A_54, %slice3A_55 : vector<8x1024xf32>
    %slice3A_57 = vector.extract_strided_slice %transpose3A {offsets = [88, 0], sizes = [8, 1024], strides = [1, 1]} : vector<256x1024xf32> to vector<8x1024xf32>
    %add3A_58 = arith.addf %add3A_56, %slice3A_57 : vector<8x1024xf32>
    %slice3A_59 = vector.extract_strided_slice %transpose3A {offsets = [96, 0], sizes = [8, 1024], strides = [1, 1]} : vector<256x1024xf32> to vector<8x1024xf32>
    %add3A_60 = arith.addf %add3A_58, %slice3A_59 : vector<8x1024xf32>
    %slice3A_61 = vector.extract_strided_slice %transpose3A {offsets = [104, 0], sizes = [8, 1024], strides = [1, 1]} : vector<256x1024xf32> to vector<8x1024xf32>
    %add3A_62 = arith.addf %add3A_60, %slice3A_61 : vector<8x1024xf32>
    %slice3A_63 = vector.extract_strided_slice %transpose3A {offsets = [112, 0], sizes = [8, 1024], strides = [1, 1]} : vector<256x1024xf32> to vector<8x1024xf32>
    %add3A_64 = arith.addf %add3A_62, %slice3A_63 : vector<8x1024xf32>
    %slice3A_65 = vector.extract_strided_slice %transpose3A {offsets = [120, 0], sizes = [8, 1024], strides = [1, 1]} : vector<256x1024xf32> to vector<8x1024xf32>
    %add3A_66 = arith.addf %add3A_64, %slice3A_65 : vector<8x1024xf32>
    %slice3A_67 = vector.extract_strided_slice %transpose3A {offsets = [128, 0], sizes = [8, 1024], strides = [1, 1]} : vector<256x1024xf32> to vector<8x1024xf32>
    %add3A_68 = arith.addf %add3A_66, %slice3A_67 : vector<8x1024xf32>
    %slice3A_69 = vector.extract_strided_slice %transpose3A {offsets = [136, 0], sizes = [8, 1024], strides = [1, 1]} : vector<256x1024xf32> to vector<8x1024xf32>
    %add3A_70 = arith.addf %add3A_68, %slice3A_69 : vector<8x1024xf32>
    %slice3A_71 = vector.extract_strided_slice %transpose3A {offsets = [144, 0], sizes = [8, 1024], strides = [1, 1]} : vector<256x1024xf32> to vector<8x1024xf32>
    %add3A_72 = arith.addf %add3A_70, %slice3A_71 : vector<8x1024xf32>
    %slice3A_73 = vector.extract_strided_slice %transpose3A {offsets = [152, 0], sizes = [8, 1024], strides = [1, 1]} : vector<256x1024xf32> to vector<8x1024xf32>
    %add3A_74 = arith.addf %add3A_72, %slice3A_73 : vector<8x1024xf32>
    %slice3A_75 = vector.extract_strided_slice %transpose3A {offsets = [160, 0], sizes = [8, 1024], strides = [1, 1]} : vector<256x1024xf32> to vector<8x1024xf32>
    %add3A_76 = arith.addf %add3A_74, %slice3A_75 : vector<8x1024xf32>
    %slice3A_77 = vector.extract_strided_slice %transpose3A {offsets = [168, 0], sizes = [8, 1024], strides = [1, 1]} : vector<256x1024xf32> to vector<8x1024xf32>
    %add3A_78 = arith.addf %add3A_76, %slice3A_77 : vector<8x1024xf32>
    %slice3A_79 = vector.extract_strided_slice %transpose3A {offsets = [176, 0], sizes = [8, 1024], strides = [1, 1]} : vector<256x1024xf32> to vector<8x1024xf32>
    %add3A_80 = arith.addf %add3A_78, %slice3A_79 : vector<8x1024xf32>
    %slice3A_81 = vector.extract_strided_slice %transpose3A {offsets = [184, 0], sizes = [8, 1024], strides = [1, 1]} : vector<256x1024xf32> to vector<8x1024xf32>
    %add3A_82 = arith.addf %add3A_80, %slice3A_81 : vector<8x1024xf32>
    %slice3A_83 = vector.extract_strided_slice %transpose3A {offsets = [192, 0], sizes = [8, 1024], strides = [1, 1]} : vector<256x1024xf32> to vector<8x1024xf32>
    %add3A_84 = arith.addf %add3A_82, %slice3A_83 : vector<8x1024xf32>
    %slice3A_85 = vector.extract_strided_slice %transpose3A {offsets = [200, 0], sizes = [8, 1024], strides = [1, 1]} : vector<256x1024xf32> to vector<8x1024xf32>
    %add3A_86 = arith.addf %add3A_84, %slice3A_85 : vector<8x1024xf32>
    %slice3A_87 = vector.extract_strided_slice %transpose3A {offsets = [208, 0], sizes = [8, 1024], strides = [1, 1]} : vector<256x1024xf32> to vector<8x1024xf32>
    %add3A_88 = arith.addf %add3A_86, %slice3A_87 : vector<8x1024xf32>
    %slice3A_89 = vector.extract_strided_slice %transpose3A {offsets = [216, 0], sizes = [8, 1024], strides = [1, 1]} : vector<256x1024xf32> to vector<8x1024xf32>
    %add3A_90 = arith.addf %add3A_88, %slice3A_89 : vector<8x1024xf32>
    %slice3A_91 = vector.extract_strided_slice %transpose3A {offsets = [224, 0], sizes = [8, 1024], strides = [1, 1]} : vector<256x1024xf32> to vector<8x1024xf32>
    %add3A_92 = arith.addf %add3A_90, %slice3A_91 : vector<8x1024xf32>
    %slice3A_93 = vector.extract_strided_slice %transpose3A {offsets = [232, 0], sizes = [8, 1024], strides = [1, 1]} : vector<256x1024xf32> to vector<8x1024xf32>
    %add3A_94 = arith.addf %add3A_92, %slice3A_93 : vector<8x1024xf32>
    %slice3A_95 = vector.extract_strided_slice %transpose3A {offsets = [240, 0], sizes = [8, 1024], strides = [1, 1]} : vector<256x1024xf32> to vector<8x1024xf32>
    %add3A_96 = arith.addf %add3A_94, %slice3A_95 : vector<8x1024xf32>
    %slice3A_97 = vector.extract_strided_slice %transpose3A {offsets = [248, 0], sizes = [8, 1024], strides = [1, 1]} : vector<256x1024xf32> to vector<8x1024xf32>
    %add3A_98 = arith.addf %add3A_96, %slice3A_97 : vector<8x1024xf32>
    %slice3A_99 = vector.extract_strided_slice %add3A_98 {offsets = [0, 0], sizes = [4, 1024], strides = [1, 1]} : vector<8x1024xf32> to vector<4x1024xf32>
    %slice3A_100 = vector.extract_strided_slice %add3A_98 {offsets = [4, 0], sizes = [4, 1024], strides = [1, 1]} : vector<8x1024xf32> to vector<4x1024xf32>
    %add3A_101 = arith.addf %slice3A_99, %slice3A_100 : vector<4x1024xf32>
    %slice3A_102 = vector.extract_strided_slice %add3A_101 {offsets = [0, 0], sizes = [2, 1024], strides = [1, 1]} : vector<4x1024xf32> to vector<2x1024xf32>
    %slice3A_103 = vector.extract_strided_slice %add3A_101 {offsets = [2, 0], sizes = [2, 1024], strides = [1, 1]} : vector<4x1024xf32> to vector<2x1024xf32>
    %add3A_104 = arith.addf %slice3A_102, %slice3A_103 : vector<2x1024xf32>
    %slice3A_105 = vector.extract_strided_slice %add3A_104 {offsets = [0, 0], sizes = [1, 1024], strides = [1, 1]} : vector<2x1024xf32> to vector<1x1024xf32>
    %slice3A_106 = vector.extract_strided_slice %add3A_104 {offsets = [1, 0], sizes = [1, 1024], strides = [1, 1]} : vector<2x1024xf32> to vector<1x1024xf32>
    %add3A_107 = arith.addf %slice3A_105, %slice3A_106 : vector<1x1024xf32>
    %transpose3A_108 = tpu.transpose %add3A_107, [1, 0] : vector<1x1024xf32> -> vector<1024x1xf32>
    %mul3A_109 = arith.mulf %get3A_34, %get3A_34 : vector<512x256xf32>
    %transpose3A_110 = tpu.transpose %mul3A_109, [1, 0] : vector<512x256xf32> -> vector<256x512xf32>
    %slice3A_111 = vector.extract_strided_slice %transpose3A_110 {offsets = [0, 0], sizes = [128, 512], strides = [1, 1]} : vector<256x512xf32> to vector<128x512xf32>
    %slice3A_112 = vector.extract_strided_slice %transpose3A_110 {offsets = [128, 0], sizes = [128, 512], strides = [1, 1]} : vector<256x512xf32> to vector<128x512xf32>
    %add3A_113 = arith.addf %slice3A_111, %slice3A_112 : vector<128x512xf32>
    %slice3A_114 = vector.extract_strided_slice %add3A_113 {offsets = [0, 0], sizes = [8, 512], strides = [1, 1]} : vector<128x512xf32> to vector<8x512xf32>
    %slice3A_115 = vector.extract_strided_slice %add3A_113 {offsets = [8, 0], sizes = [8, 512], strides = [1, 1]} : vector<128x512xf32> to vector<8x512xf32>
    %add3A_116 = arith.addf %slice3A_114, %slice3A_115 : vector<8x512xf32>
    %slice3A_117 = vector.extract_strided_slice %add3A_113 {offsets = [16, 0], sizes = [8, 512], strides = [1, 1]} : vector<128x512xf32> to vector<8x512xf32>
    %add3A_118 = arith.addf %add3A_116, %slice3A_117 : vector<8x512xf32>
    %slice3A_119 = vector.extract_strided_slice %add3A_113 {offsets = [24, 0], sizes = [8, 512], strides = [1, 1]} : vector<128x512xf32> to vector<8x512xf32>
    %add3A_120 = arith.addf %add3A_118, %slice3A_119 : vector<8x512xf32>
    %slice3A_121 = vector.extract_strided_slice %add3A_113 {offsets = [32, 0], sizes = [8, 512], strides = [1, 1]} : vector<128x512xf32> to vector<8x512xf32>
    %add3A_122 = arith.addf %add3A_120, %slice3A_121 : vector<8x512xf32>
    %slice3A_123 = vector.extract_strided_slice %add3A_113 {offsets = [40, 0], sizes = [8, 512], strides = [1, 1]} : vector<128x512xf32> to vector<8x512xf32>
    %add3A_124 = arith.addf %add3A_122, %slice3A_123 : vector<8x512xf32>
    %slice3A_125 = vector.extract_strided_slice %add3A_113 {offsets = [48, 0], sizes = [8, 512], strides = [1, 1]} : vector<128x512xf32> to vector<8x512xf32>
    %add3A_126 = arith.addf %add3A_124, %slice3A_125 : vector<8x512xf32>
    %slice3A_127 = vector.extract_strided_slice %add3A_113 {offsets = [56, 0], sizes = [8, 512], strides = [1, 1]} : vector<128x512xf32> to vector<8x512xf32>
    %add3A_128 = arith.addf %add3A_126, %slice3A_127 : vector<8x512xf32>
    %slice3A_129 = vector.extract_strided_slice %add3A_113 {offsets = [64, 0], sizes = [8, 512], strides = [1, 1]} : vector<128x512xf32> to vector<8x512xf32>
    %add3A_130 = arith.addf %add3A_128, %slice3A_129 : vector<8x512xf32>
    %slice3A_131 = vector.extract_strided_slice %add3A_113 {offsets = [72, 0], sizes = [8, 512], strides = [1, 1]} : vector<128x512xf32> to vector<8x512xf32>
    %add3A_132 = arith.addf %add3A_130, %slice3A_131 : vector<8x512xf32>
    %slice3A_133 = vector.extract_strided_slice %add3A_113 {offsets = [80, 0], sizes = [8, 512], strides = [1, 1]} : vector<128x512xf32> to vector<8x512xf32>
    %add3A_134 = arith.addf %add3A_132, %slice3A_133 : vector<8x512xf32>
    %slice3A_135 = vector.extract_strided_slice %add3A_113 {offsets = [88, 0], sizes = [8, 512], strides = [1, 1]} : vector<128x512xf32> to vector<8x512xf32>
    %add3A_136 = arith.addf %add3A_134, %slice3A_135 : vector<8x512xf32>
    %slice3A_137 = vector.extract_strided_slice %add3A_113 {offsets = [96, 0], sizes = [8, 512], strides = [1, 1]} : vector<128x512xf32> to vector<8x512xf32>
    %add3A_138 = arith.addf %add3A_136, %slice3A_137 : vector<8x512xf32>
    %slice3A_139 = vector.extract_strided_slice %add3A_113 {offsets = [104, 0], sizes = [8, 512], strides = [1, 1]} : vector<128x512xf32> to vector<8x512xf32>
    %add3A_140 = arith.addf %add3A_138, %slice3A_139 : vector<8x512xf32>
    %slice3A_141 = vector.extract_strided_slice %add3A_113 {offsets = [112, 0], sizes = [8, 512], strides = [1, 1]} : vector<128x512xf32> to vector<8x512xf32>
    %add3A_142 = arith.addf %add3A_140, %slice3A_141 : vector<8x512xf32>
    %slice3A_143 = vector.extract_strided_slice %add3A_113 {offsets = [120, 0], sizes = [8, 512], strides = [1, 1]} : vector<128x512xf32> to vector<8x512xf32>
    %add3A_144 = arith.addf %add3A_142, %slice3A_143 : vector<8x512xf32>
    %slice3A_145 = vector.extract_strided_slice %add3A_144 {offsets = [0, 0], sizes = [4, 512], strides = [1, 1]} : vector<8x512xf32> to vector<4x512xf32>
    %slice3A_146 = vector.extract_strided_slice %add3A_144 {offsets = [4, 0], sizes = [4, 512], strides = [1, 1]} : vector<8x512xf32> to vector<4x512xf32>
    %add3A_147 = arith.addf %slice3A_145, %slice3A_146 : vector<4x512xf32>
    %slice3A_148 = vector.extract_strided_slice %add3A_147 {offsets = [0, 0], sizes = [2, 512], strides = [1, 1]} : vector<4x512xf32> to vector<2x512xf32>
    %slice3A_149 = vector.extract_strided_slice %add3A_147 {offsets = [2, 0], sizes = [2, 512], strides = [1, 1]} : vector<4x512xf32> to vector<2x512xf32>
    %add3A_150 = arith.addf %slice3A_148, %slice3A_149 : vector<2x512xf32>
    %slice3A_151 = vector.extract_strided_slice %add3A_150 {offsets = [0, 0], sizes = [1, 512], strides = [1, 1]} : vector<2x512xf32> to vector<1x512xf32>
    %slice3A_152 = vector.extract_strided_slice %add3A_150 {offsets = [1, 0], sizes = [1, 512], strides = [1, 1]} : vector<2x512xf32> to vector<1x512xf32>
    %add3A_153 = arith.addf %slice3A_151, %slice3A_152 : vector<1x512xf32>
    %add3A_154 = vector.broadcast %transpose3A_108 : vector<1024x1xf32> to vector<1024x512xf32>
    %add3A_155 = vector.broadcast %add3A_153 : vector<1x512xf32> to vector<1024x512xf32>
    %add3A_156 = arith.addf %add3A_154, %add3A_155 : vector<1024x512xf32>
    %mul3A_157 = arith.constant 2.000000e+00 : f32
    %mul3A_158 = vector.broadcast %mul3A_157 : f32 to vector<1024x512xf32>
    %mul3A_159 = arith.mulf %mul3A_158, %dot_general3A_36 : vector<1024x512xf32>
    %sub3A = arith.subf %add3A_156, %mul3A_159 : vector<1024x512xf32>
    %swap3A = arith.constant 0 : index
    %swap3A_160 = arith.constant 0 : index
    %swap3A_161 = arith.constant 0 : index
    %swap3A_162 = vector.load %arg7[%swap3A, %swap3A_160, %swap3A_161] : memref<1x1024x512xf32, #tpu.memory_space<vmem>>, vector<1x1024x512xf32>
    %swap3A_163 = vector.shape_cast %swap3A_162 : vector<1x1024x512xf32> to vector<1024x512xf32>
    %swap3A_164 = vector.shape_cast %sub3A : vector<1024x512xf32> to vector<1x1024x512xf32>
    tpu.vector_store %arg7[%swap3A, %swap3A_160, %swap3A_161], %swap3A_164 {strides = array<i32>} : memref<1x1024x512xf32, #tpu.memory_space<vmem>>, vector<1x1024x512xf32>,
    %eq3A = arith.constant 0 : i32
    %eq3A_165 = arith.cmpi eq, %arg0, %eq3A : i32
    %convert_element_type3A = arith.extui %eq3A_165 : i1 to i32
    %cond3A = arith.constant 0 : i32
    %cond3A_166 = arith.cmpi ne, %convert_element_type3A, %cond3A : i32
    scf.if %cond3A_166 {
      %swap3A_176 = arith.constant 0 : index
      %swap3A_177 = arith.constant 0 : index
      %swap3A_178 = vector.load %arg11[%swap3A_176, %swap3A_177] : memref<1024x512xf32, #tpu.memory_space<vmem>>, vector<1024x512xf32>
      tpu.vector_store %arg11[%swap3A_176, %swap3A_177], %sub3A {strides = array<i32>} : memref<1024x512xf32, #tpu.memory_space<vmem>>, vector<1024x512xf32>,
      %swap3A_179 = arith.constant 0 : index
      %swap3A_180 = arith.constant 0 : index
      %swap3A_181 = vector.load %arg12[%swap3A_179, %swap3A_180] : memref<512x256xf32, #tpu.memory_space<vmem>>, vector<512x256xf32>
      tpu.vector_store %arg12[%swap3A_179, %swap3A_180], %get3A_34 {strides = array<i32>} : memref<512x256xf32, #tpu.memory_space<vmem>>, vector<512x256xf32>,
    } else {
    }
    %gt3A = arith.constant 0 : i32
    %gt3A_167 = arith.cmpi sgt, %arg0, %gt3A : i32
    %convert_element_type3A_168 = arith.extui %gt3A_167 : i1 to i32
    %cond3A_169 = arith.constant 0 : i32
    %cond3A_170 = arith.cmpi ne, %convert_element_type3A_168, %cond3A_169 : i32
    scf.if %cond3A_170 {
      %get3A_176 = arith.constant 0 : index
      %get3A_177 = arith.constant 0 : index
      %get3A_178 = vector.load %arg11[%get3A_176, %get3A_177] : memref<1024x512xf32, #tpu.memory_space<vmem>>, vector<1024x512xf32>
      %add3A_179 = arith.addf %get3A_178, %sub3A : vector<1024x512xf32>
      %swap3A_180 = arith.constant 0 : index
      %swap3A_181 = arith.constant 0 : index
      %swap3A_182 = vector.load %arg11[%swap3A_180, %swap3A_181] : memref<1024x512xf32, #tpu.memory_space<vmem>>, vector<1024x512xf32>
      tpu.vector_store %arg11[%swap3A_180, %swap3A_181], %add3A_179 {strides = array<i32>} : memref<1024x512xf32, #tpu.memory_space<vmem>>, vector<1024x512xf32>,
      %get3A_183 = arith.constant 0 : index
      %get3A_184 = arith.constant 0 : index
      %get3A_185 = vector.load %arg12[%get3A_183, %get3A_184] : memref<512x256xf32, #tpu.memory_space<vmem>>, vector<512x256xf32>
      %add3A_186 = arith.addf %get3A_185, %get3A_34 : vector<512x256xf32>
      %swap3A_187 = arith.constant 0 : index
      %swap3A_188 = arith.constant 0 : index
      %swap3A_189 = vector.load %arg12[%swap3A_187, %swap3A_188] : memref<512x256xf32, #tpu.memory_space<vmem>>, vector<512x256xf32>
      tpu.vector_store %arg12[%swap3A_187, %swap3A_188], %add3A_186 {strides = array<i32>} : memref<512x256xf32, #tpu.memory_space<vmem>>, vector<512x256xf32>,
    } else {
    }
    %eq3A_171 = arith.constant 3 : i32
    %eq3A_172 = arith.cmpi eq, %arg0, %eq3A_171 : i32
    %convert_element_type3A_173 = arith.extui %eq3A_172 : i1 to i32
    %cond3A_174 = arith.constant 0 : i32
    %cond3A_175 = arith.cmpi ne, %convert_element_type3A_173, %cond3A_174 : i32
    scf.if %cond3A_175 {
      %get3A_176 = arith.constant 0 : index
      %get3A_177 = arith.constant 0 : index
      %get3A_178 = vector.load %arg11[%get3A_176, %get3A_177] : memref<1024x512xf32, #tpu.memory_space<vmem>>, vector<1024x512xf32>
      %mul3A_179 = arith.constant 2.500000e-01 : f32
      %mul3A_180 = vector.broadcast %mul3A_179 : f32 to vector<1024x512xf32>
      %mul3A_181 = arith.mulf %get3A_178, %mul3A_180 : vector<1024x512xf32>
      %reduce_min3A = arith.constant dense<0x7F800000> : vector<1024xf32>
      %reduce_min3A_182 = vector.multi_reduction <minimumf>, %mul3A_181, %reduce_min3A [1] : vector<1024x512xf32> to vector<1024xf32>
      %broadcast_in_dim3A = vector.shape_cast %reduce_min3A_182 : vector<1024xf32> to vector<1024x1xf32>
      %iota3A = tpu.iota {dimensions = array<i32: 1>} : vector<1024x512xi32>
      %eq3A_183 = vector.broadcast %broadcast_in_dim3A : vector<1024x1xf32> to vector<1024x512xf32>
      %eq3A_184 = arith.cmpf oeq, %mul3A_181, %eq3A_183 : vector<1024x512xf32>
      %jit3A = arith.constant 512 : i32
      %broadcast_in_dim3A_185 = vector.broadcast %jit3A : i32 to vector<1024x512xi32>
      %select_n3A = arith.select %eq3A_184, %iota3A, %broadcast_in_dim3A_185 : vector<1024x512xi1>, vector<1024x512xi32>
      %reduce_min3A_186 = arith.constant dense<2147483647> : vector<1024xi32>
      %reduce_min3A_187 = vector.multi_reduction <minsi>, %select_n3A, %reduce_min3A_186 [1] : vector<1024x512xi32> to vector<1024xi32>
      %broadcast_in_dim3A_188 = vector.shape_cast %reduce_min3A_187 : vector<1024xi32> to vector<1024x1xi32>
      %swap3A_189 = arith.constant 0 : index
      %swap3A_190 = arith.constant 0 : index
      %swap3A_191 = vector.load %arg8[%swap3A_189, %swap3A_190] : memref<1024x1xi32, #tpu.memory_space<vmem>>, vector<1024x1xi32>
      tpu.vector_store %arg8[%swap3A_189, %swap3A_190], %broadcast_in_dim3A_188 {strides = array<i32>} : memref<1024x1xi32, #tpu.memory_space<vmem>>, vector<1024x1xi32>,
      %get3A_192 = arith.constant 0 : index
      %get3A_193 = arith.constant 0 : index
      %get3A_194 = vector.load %arg12[%get3A_192, %get3A_193] : memref<512x256xf32, #tpu.memory_space<vmem>>, vector<512x256xf32>
      %mul3A_195 = arith.constant 2.500000e-01 : f32
      %mul3A_196 = vector.broadcast %mul3A_195 : f32 to vector<512x256xf32>
      %mul3A_197 = arith.mulf %get3A_194, %mul3A_196 : vector<512x256xf32>
      %swap3A_198 = arith.constant 0 : index
      %swap3A_199 = arith.constant 0 : index
      %swap3A_200 = vector.load %arg9[%swap3A_198, %swap3A_199] : memref<512x256xf32, #tpu.memory_space<vmem>>, vector<512x256xf32>
      tpu.vector_store %arg9[%swap3A_198, %swap3A_199], %mul3A_197 {strides = array<i32>} : memref<512x256xf32, #tpu.memory_space<vmem>>, vector<512x256xf32>,
      %mul3A_201 = arith.mulf %mul3A_197, %mul3A_197 : vector<512x256xf32>
      %reduce_sum3A = arith.constant dense<0.000000e+00> : vector<512xf32>
      %reduce_sum3A_202 = vector.multi_reduction <add>, %mul3A_201, %reduce_sum3A [1] : vector<512x256xf32> to vector<512xf32>
      %broadcast_in_dim3A_203 = vector.shape_cast %reduce_sum3A_202 : vector<512xf32> to vector<512x1xf32>
      %mul3A_204 = arith.mulf %get3A_1, %get3A_1 : vector<1024x256xf32>
      %reduce_sum3A_205 = arith.constant dense<0.000000e+00> : vector<1024xf32>
      %reduce_sum3A_206 = vector.multi_reduction <add>, %mul3A_204, %reduce_sum3A_205 [1] : vector<1024x256xf32> to vector<1024xf32>
      %broadcast_in_dim3A_207 = vector.shape_cast %reduce_sum3A_206 : vector<1024xf32> to vector<1x1024xf32>
      %dot_general3A_208 = arith.constant dense<0.000000e+00> : vector<512x1024xf32>
      %dot_general3A_209 = tpu.matmul %mul3A_197, %get3A_1, %dot_general3A_208 {dimension_numbers = #tpu.dot_dimension_numbers<[1], [1], [0], [0], [0, 0, 1, 0], [], []>, transpose_lhs_hint = false} : vector<512x256xf32>, vector<1024x256xf32>, vector<512x1024xf32> -> vector<512x1024xf32>
      %add3A_210 = vector.broadcast %broadcast_in_dim3A_203 : vector<512x1xf32> to vector<512x1024xf32>
      %add3A_211 = vector.broadcast %broadcast_in_dim3A_207 : vector<1x1024xf32> to vector<512x1024xf32>
      %add3A_212 = arith.addf %add3A_210, %add3A_211 : vector<512x1024xf32>
      %mul3A_213 = arith.constant 2.000000e+00 : f32
      %mul3A_214 = vector.broadcast %mul3A_213 : f32 to vector<512x1024xf32>
      %mul3A_215 = arith.mulf %mul3A_214, %dot_general3A_209 : vector<512x1024xf32>
      %sub3A_216 = arith.subf %add3A_212, %mul3A_215 : vector<512x1024xf32>
      %mul3A_217 = arith.constant 2.500000e-01 : f32
      %mul3A_218 = vector.broadcast %mul3A_217 : f32 to vector<512x1024xf32>
      %mul3A_219 = arith.mulf %mul3A_218, %sub3A_216 : vector<512x1024xf32>
      %add3A_220 = arith.addf %sub3A_216, %mul3A_219 : vector<512x1024xf32>
      %swap3A_221 = arith.constant 0 : index
      %swap3A_222 = arith.constant 0 : index
      %swap3A_223 = vector.load %arg10[%swap3A_221, %swap3A_222] : memref<512x1024xf32, #tpu.memory_space<vmem>>, vector<512x1024xf32>
      tpu.vector_store %arg10[%swap3A_221, %swap3A_222], %add3A_220 {strides = array<i32>} : memref<512x1024xf32, #tpu.memory_space<vmem>>, vector<512x1024xf32>,
    } else {
    }
    return
  }
  func.func @transform_0(%arg0: i32) -> (i32, i32) {
    %c0_i32 = arith.constant 0 : i32
    %c0_i32_0 = arith.constant 0 : i32
    %c0_i32_1 = arith.constant 0 : i32
    return %c0_i32, %c0_i32_0 : i32, i32
  }
  func.func @transform_1(%arg0: i32) -> (i32, i32, i32) {
    %c0_i32 = arith.constant 0 : i32
    %c0_i32_0 = arith.constant 0 : i32
    %c0_i32_1 = arith.constant 0 : i32
    return %arg0, %c0_i32, %c0_i32_0 : i32, i32, i32
  }
  func.func @transform_2(%arg0: i32) -> (i32, i32, i32) {
    %c0_i32 = arith.constant 0 : i32
    %c0_i32_0 = arith.constant 0 : i32
    %c0_i32_1 = arith.constant 0 : i32
    return %arg0, %c0_i32, %c0_i32_0 : i32, i32, i32
  }
  func.func @transform_3(%arg0: i32) -> (i32, i32, i32) {
    %c0_i32 = arith.constant 0 : i32
    %c0_i32_0 = arith.constant 0 : i32
    %c0_i32_1 = arith.constant 0 : i32
    return %arg0, %c0_i32, %c0_i32_0 : i32, i32, i32
  }
  func.func @transform_4(%arg0: i32) -> (i32, i32, i32) {
    %c0_i32 = arith.constant 0 : i32
    %c0_i32_0 = arith.constant 0 : i32
    %c0_i32_1 = arith.constant 0 : i32
    return %arg0, %c0_i32, %c0_i32_0 : i32, i32, i32
  }
  func.func @transform_5(%arg0: i32) -> (i32, i32, i32) {
    %c0_i32 = arith.constant 0 : i32
    %c0_i32_0 = arith.constant 0 : i32
    %c0_i32_1 = arith.constant 0 : i32
    return %arg0, %c0_i32, %c0_i32_0 : i32, i32, i32
  }
  func.func @transform_6(%arg0: i32) -> (i32, i32, i32) {
    %c0_i32 = arith.constant 0 : i32
    %c0_i32_0 = arith.constant 0 : i32
    %c0_i32_1 = arith.constant 0 : i32
    return %arg0, %c0_i32, %c0_i32_0 : i32, i32, i32
  }
  func.func @transform_7(%arg0: i32) -> (i32, i32) {
    %c0_i32 = arith.constant 0 : i32
    %c0_i32_0 = arith.constant 0 : i32
    %c0_i32_1 = arith.constant 0 : i32
    return %c0_i32, %c0_i32_0 : i32, i32
  }
  func.func @transform_8(%arg0: i32) -> (i32, i32) {
    %c0_i32 = arith.constant 0 : i32
    %c0_i32_0 = arith.constant 0 : i32
    %c0_i32_1 = arith.constant 0 : i32
    return %c0_i32, %c0_i32_0 : i32, i32
  }
  func.func @transform_9(%arg0: i32) -> (i32, i32) {
    %c0_i32 = arith.constant 0 : i32
    %c0_i32_0 = arith.constant 0 : i32
    %c0_i32_1 = arith.constant 0 : i32
    return %c0_i32, %c0_i32_0 : i32, i32
  }
}

module attributes {stable_mosaic.version = 14 : i64} {
  func.func @_bcast_body(%arg0: i32, %arg1: memref<16x256xf32, #tpu.memory_space<vmem>>, %arg2: memref<16x1024x256xf32, #tpu.memory_space<vmem>>) attributes {dimension_semantics = [#tpu.dimension_semantics<arbitrary>], iteration_bounds = array<i64: 32>, scalar_prefetch = 0 : i64, scratch_operands = 0 : i64, tpu.core_type = #tpu.core_type<tc>, window_params = [{transform_indices = @transform_0, window_bounds = array<i64: 16, 256>}, {transform_indices = @transform_1, window_bounds = array<i64: 16, 1024, 256>}]} {
    %get3A = arith.constant 0 : index
    %get3A_0 = arith.constant 0 : index
    %get3A_1 = vector.load %arg1[%get3A, %get3A_0] : memref<16x256xf32, #tpu.memory_space<vmem>>, vector<16x256xf32>
    %broadcast_in_dim3A = vector.shape_cast %get3A_1 : vector<16x256xf32> to vector<16x1x256xf32>
    %broadcast_in_dim3A_2 = vector.shape_cast %broadcast_in_dim3A : vector<16x1x256xf32> to vector<16x1x256xf32>
    %broadcast_in_dim3A_3 = vector.broadcast %broadcast_in_dim3A_2 : vector<16x1x256xf32> to vector<16x1024x256xf32>
    %swap3A = arith.constant 0 : index
    %swap3A_4 = arith.constant 0 : index
    %swap3A_5 = arith.constant 0 : index
    %swap3A_6 = vector.load %arg2[%swap3A, %swap3A_4, %swap3A_5] : memref<16x1024x256xf32, #tpu.memory_space<vmem>>, vector<16x1024x256xf32>
    tpu.vector_store %arg2[%swap3A, %swap3A_4, %swap3A_5], %broadcast_in_dim3A_3 {strides = array<i32>} : memref<16x1024x256xf32, #tpu.memory_space<vmem>>, vector<16x1024x256xf32>,
    return
  }
  func.func @transform_0(%arg0: i32) -> (i32, i32) {
    %c0_i32 = arith.constant 0 : i32
    %c0_i32_0 = arith.constant 0 : i32
    return %arg0, %c0_i32 : i32, i32
  }
  func.func @transform_1(%arg0: i32) -> (i32, i32, i32) {
    %c0_i32 = arith.constant 0 : i32
    %c0_i32_0 = arith.constant 0 : i32
    %c0_i32_1 = arith.constant 0 : i32
    return %arg0, %c0_i32, %c0_i32_0 : i32, i32, i32
  }
}

</mosaic_0001>

<sc_bundles>
// kernel: kernel.5.cloned.1.call-start
scs
__scs_entry_jumppad:
0x0: {  	(pc) =	sbr.rel $0x88, $3  }
0x1: {  	(tag) =	ssettag $0x0;
	lr =	simm.s32 $0x1  }
0x2: {  	[smem:$0x3F9A] =	sst lr;
	_ =	strace $0xD0000000  }
0x3: {  	_ = 	snop  }
0x4: {  	_ = 	snop  }
0x5: {  	_ = 	snop  }
0x6: {  	_ = 	snop  }
0x7: {  	_ = 	snop  }
__scs_overlays_trampoline_lowered:
0x8: {  	[smem:$0x3FA9] =	sst s0  }
0x9: {  	[smem:$0x3FAA] =	sst s1  }
0xa: {  	[smem:$0x3FAB] =	sst s2  }
0xb: {  	[smem:$0x3FAC] =	sst s3  }
0xc: {  	[smem:$0x3FAD] =	sst s4  }
0xd: {  	[smem:$0x3FAE] =	sst s5  }
0xe: {  	[smem:$0x3FAF] =	sst s6  }
0xf: {  	[smem:$0x3FB0] =	sst s7  }
0x10: {  	[smem:$0x3FB1] =	sst s8  }
0x11: {  	[smem:$0x3FB2] =	sst s9;
	s0 =	simm.s32 @!p0 $0x0  }
0x12: {  	s1 =	sld [smem:$0x3F98];
	s0 =	simm.s32 @p0 $0x1  }
0x13: {  	[smem:$0x3FB3] =	sst s0;
	s0 =	simm.s32 @!p1 $0x0  }
0x14: {  	s2 =	sld [smem:$0x3F97];
	s0 =	simm.s32 @p1 $0x1  }
0x15: {  	[smem:$0x3FB4] =	sst s0;
	s0 =	simm.s32 @!p2 $0x0  }
0x16: {  	s3 =	sld [smem:$0x3FDB];
	s0 =	simm.s32 @p2 $0x1  }
0x17: {  	s4 =	simm.s32 $0x1BF5;
	[smem:$0x3FB6] =	sst s0  }
0x18: {  	s0 =	sld [smem:$0x3F99];
	_ =	swait.ge [sflag:s4], $0x0  }
0x19: {  	s7 =	sld [smem:$0x3F9A]  }
0x1a: {  	s8 =	sadd.s32 $0xFFFFE003, lr  }
0x1b: {  	s9 =	sadd.s32 $0xFFFFFEF7, lr;
	s5 =	simm.s32 $0xFFFFFFFF;
	p2 =	slt.u32 s8, $0xFFFFF086  }
0x1c: {  	p1 =	slt.u32 s9, $0xF7A;
	s5 =	simm.s32 @!p2 $0x0  }
0x1d: {  	s5 =	simm.s32 @p1 $0x1;
	p0 =	seq.s32 s7, s2  }
0x1e: {  	s7 =	smul.u32 @!p0 $0xF7A, s2;
	p2 =	seq.s32 @!p0 s5, $0x0  }
0x1f: {  	s9 =	smul.u32 $0xF7A, s1;
	s8 =	simm.s32 @!p0 $0x1BF5;
	p2 =	por !p2, p0  }
0x20: {  	[sflag:s8] =	ssyncset.s32 @!p0 $0xFFFFF086;
	s6 =	sadd.s32 @!p0 s3, s7;
	s7 =	simm.s32 @!p0 $0x108  }
0x21: {  	s3 =	sadd.s32 s3, s9;
	s6 =	sadd.s32 @!p0 $0x88, s6;
	s7 =	simm.s32 @p2 $0x1082  }
0x22: {  	[simem:s7], [sflag:s8] =	dma.local @!p0 [hbm:s6], $0xF7A  }
0x23: {  	s9 =	sor.u32 $0xD0000000, s2;
	s6 =	simm.s32 $0x108;
	_ =	swait.ge @!p0 [sflag:s8], $0x0  }
0x24: {  	s3 =	sadd.s32 $0x88, s3;
	s6 =	simm.s32 @!p1 $0x1082;
	[sflag:s4] =	ssyncset.s32 $0xFFFFF086  }
0x25: {  	[simem:s6], [sflag:s4] =	dma.local [hbm:s3], $0xF7A  }
0x26: {  	[smem:$0x3F9A] =	sst s1;
	(tag) =	ssettag s2;
	_ =	strace s9  }
0x27: {  	s1 =	sld [smem:$0x3FAA]  }
0x28: {  	s2 =	sld [smem:$0x3FAB]  }
0x29: {  	s4 =	sld [smem:$0x3FAD]  }
0x2a: {  	p0 =	seq.s32 s5, $0x0;
	s5 =	sld [smem:$0x3FAE]  }
0x2b: {  	s6 =	sld [smem:$0x3FAF]  }
0x2c: {  	s7 =	sld [smem:$0x3FB0]  }
0x2d: {  	s3 =	simm.s32 $0x108;
	s8 =	sld [smem:$0x3FB1]  }
0x2e: {  	s3 =	simm.s32 @!p0 $0x1082;
	s9 =	sld [smem:$0x3FB2]  }
0x2f: {  	lr =	sadd.s32 s0, s3;
	s0 =	sld [smem:$0x3FA9]  }
0x30: {  	s3 =	sld [smem:$0x3FAC]  }
0x31: {  	[smem:$0x3FB5] =	sst s10  }
0x32: {  	s10 =	sld [smem:$0x3FB3];
	_ =	sdelay $0x3  }
0x33: {  	p0 =	seq.s32 s10, $0x1;
	s10 =	sld [smem:$0x3FB5];
	_ =	sdelay $0x3  }
0x34: {  	[smem:$0x3FB5] =	sst s10  }
0x35: {  	s10 =	sld [smem:$0x3FB4];
	_ =	sdelay $0x3  }
0x36: {  	p1 =	seq.s32 s10, $0x1;
	s10 =	sld [smem:$0x3FB5];
	_ =	sdelay $0x3  }
0x37: {  	[smem:$0x3FB5] =	sst s10  }
0x38: {  	s10 =	sld [smem:$0x3FB6]  }
0x39: {  	_ = 	snop;
	(pc) =	sbr.ind lr, $3  }
0x3a: {  	_ = 	snop  }
0x3b: {  	_ = 	snop  }
0x3c: {  	p2 =	seq.s32 s10, $0x1;
	s10 =	sld [smem:$0x3FB5]  }
0x3d: {  	_ =	shalt  }
0x3e: {  	_ =	shalt  }
0x3f: {  	_ =	shalt  }
0x40: {  	_ =	shalt  }
0x41: {  	_ =	shalt  }
0x42: {  	_ =	shalt  }
0x43: {  	_ =	shalt  }
0x44: {  	_ =	shalt  }
0x45: {  	_ =	shalt  }
0x46: {  	_ =	shalt  }
0x47: {  	_ =	shalt  }
0x48: {  	_ =	shalt  }
0x49: {  	_ =	shalt  }
0x4a: {  	_ =	shalt  }
0x4b: {  	_ =	shalt  }
0x4c: {  	_ =	shalt  }
0x4d: {  	_ =	shalt  }
0x4e: {  	_ =	shalt  }
0x4f: {  	_ =	shalt  }
0x50: {  	_ =	shalt  }
0x51: {  	_ =	shalt  }
0x52: {  	_ =	shalt  }
0x53: {  	_ =	shalt  }
0x54: {  	_ =	shalt  }
0x55: {  	_ =	shalt  }
0x56: {  	_ =	shalt  }
0x57: {  	_ =	shalt  }
0x58: {  	_ =	shalt  }
0x59: {  	_ =	shalt  }
0x5a: {  	_ =	shalt  }
0x5b: {  	_ =	shalt  }
0x5c: {  	_ =	shalt  }
0x5d: {  	_ =	shalt  }
0x5e: {  	_ =	shalt  }
0x5f: {  	_ =	shalt  }
0x60: {  	_ =	shalt  }
0x61: {  	_ =	shalt  }
0x62: {  	_ =	shalt  }
0x63: {  	_ =	shalt  }
0x64: {  	_ =	shalt  }
0x65: {  	_ =	shalt  }
0x66: {  	_ =	shalt  }
0x67: {  	_ =	shalt  }
0x68: {  	_ =	shalt  }
0x69: {  	_ =	shalt  }
0x6a: {  	_ =	shalt  }
0x6b: {  	_ =	shalt  }
0x6c: {  	_ =	shalt  }
0x6d: {  	_ =	shalt  }
0x6e: {  	_ =	shalt  }
0x6f: {  	_ =	shalt  }
0x70: {  	_ =	shalt  }
0x71: {  	_ =	shalt  }
0x72: {  	_ =	shalt  }
0x73: {  	_ =	shalt  }
0x74: {  	_ =	shalt  }
0x75: {  	_ =	shalt  }
0x76: {  	_ =	shalt  }
0x77: {  	_ =	shalt  }
0x78: {  	_ =	shalt  }
0x79: {  	_ =	shalt  }
0x7a: {  	_ =	shalt  }
0x7b: {  	_ =	shalt  }
0x7c: {  	_ =	shalt  }
0x7d: {  	_ =	shalt  }
0x7e: {  	_ =	shalt  }
0x7f: {  	_ =	shalt  }
0x80: {  	_ =	shalt  }
0x81: {  	_ =	shalt  }
0x82: {  	_ =	shalt  }
0x83: {  	_ =	shalt  }
0x84: {  	_ =	shalt  }
0x85: {  	_ =	shalt  }
0x86: {  	_ =	shalt  }
0x87: {  	_ =	shalt  }
.Lfunc_end0:
.L_simem_size_0:
called_computation_lowered:
.L_overlay_start_0:
0x88: {  	s2 =	sld [smem:$0x3FD9]  }
0x89: {  	s3 =	sld [smem:$0x3FFE];
	_ =	sdelay $0x1  }
0x8a: {  	s1 =	srdreg.scid  }
0x8b: {  	s0 =	sand.u32 $0x1, s1  }
0x8c: {  	s14 =	sshll.u32 s0, $0xA;
	s2 =	sadd.s32 s3, s2  }
0x8d: {  	s2 =	sadd.s32 s2, s14  }
0x8e: {  	[smem:$0x3FC1] =	sst s2  }
0x8f: {  	_ = 	snop  }
0x90: {  	s2 =	sld [smem:$0x3FD0];
	_ =	sdelay $0x2  }
0x91: {  	s4 =	simm.s32 $0xA;
	s5 =	simm.s32 $0x10;
	s15 =	sld [smem:$0x3FC8]  }
0x92: {  	[smem:s5], [sflag:s4] =	dma.local [hbm:s2], $0x1  }
0x93: {  	_ =	swait.eq [sflag:s4], $0x1  }
0x94: {  	[sflag:s4] =	ssyncset.done $0x0  }
0x95: {  	s16 =	sld [smem:$0x10];
	[sflag:s4] =	ssyncadd.s32 $0xFFFFFFFF  }
0x96: {  	s17 =	sld [smem:$0x14];
	(tm) =	ssettm $0x1  }
0x97: {  	s18 =	sld [smem:$0x3FFB];
	_ =	sdelay $0x3  }
0x98: {  	_ =	strace s18  }
0x99: {  	s5 =	sld [smem:$0x3FFC];
	_ =	sdelay $0x3  }
0x9a: {  	_ =	strace s5  }
0x9b: {  	s5 =	sld [smem:$0x3FFD];
	_ =	sdelay $0x3  }
0x9c: {  	_ =	strace s5  }
0x9d: {  	_ =	strace $0x8FFFFFFF  }
0x9e: {  	s19 =	sld [smem:$0x3FDB];
	_ =	sdelay $0x1  }
0x9f: {  	s6 =	simm.s32 $_scs_section_size  }
0xa0: {  	s7 =	simm.s32 $_size__tile_overlayer_lowered;
	s8 =	simm.s32 $_tile_overlayer_lowered  }
0xa1: {  	s22 =	simm.s32 $0x1BFF;
	s21 =	sshll.u32 s8, $0x1;
	s5 =	sadd.s32 s6, s19  }
0xa2: {  	s9 =	simm.s32 $0x0;
	s20 =	sshll.u32 s7, $0x1;
	s7 =	sadd.s32 s21, s5  }
0xa3: {  	[timem:s9], [sflag:s22] =	dma.local [hbm:s7], s20  }
0xa4: {  	_ =	swait.ge [sflag:s22], s20  }
0xa5: {  	s6 =	ssub.s32 $0x0, s20;
	[sflag:s22] =	ssyncset.done $0x0  }
0xa6: {  	[sflag:s22] =	ssyncadd.s32 s6;
	_ =	sdelay $0x1  }
0xa7: {  	s23 =	simm.s32 $0x1B8B  }
0xa8: {  	_ =	swait.ge [sflag:s23], $0x1  }
0xa9: {  	[sflag:s23] =	ssyncset.done $0x0  }
0xaa: {  	s25 =	simm.s32 $0x1B8E;
	s24 =	sld [smem:$0x3FFE];
	[sflag:s23] =	ssyncadd.s32 $0xFFFFFFFF  }
0xab: {  	s26 =	simm.s32 $execute0_lowered;
	[smem:$0x3FD2] =	sst s25  }
0xac: {  	s7 =	sshll.u32 s26, $0x1;
	_ =	strace $0x80000046;
	[dreg:$0x1] =	wrdreg $0xFFFFFFFF  }
0xad: {  	s28 =	simm.s32 $_size_execute0_lowered;
	s5 =	sadd.s32 s5, s7;
	[dreg:$0x0] =	wrdreg $0x0  }
0xae: {  	s7 =	sshll.u32 s28, $0x1;
	[dreg:$0x2] =	wrdreg s5  }
0xaf: {  	[dreg:$0x3] =	wrdreg s7  }
0xb0: {  	[dreg:$0x4] =	wrdreg $0xC0  }
0xb1: {  	_ =	task [dreg:s9], $0x5FFFF  }
0xb2: {  	[dreg:$0x1] =	wrdreg $0xFFFFFFFF  }
0xb3: {  	[dreg:$0x0] =	wrdreg $0x60  }
0xb4: {  	[dreg:$0x2] =	wrdreg s24  }
0xb5: {  	[dreg:$0x3] =	wrdreg s15  }
0xb6: {  	[dreg:$0x4] =	wrdreg s16  }
0xb7: {  	[dreg:$0x5] =	wrdreg s17  }
0xb8: {  	[dreg:$0x6] =	wrdreg $0x9  }
0xb9: {  	_ =	task.clear_ibuf [dreg:s9], $0x7FFFF;
	_ =	strace $0x90000046  }
0xba: {  	s29 =	simm.s32 $0x9;
	_ =	strace $0x80000048  }
0xbb: {  	_ =	swait.ge [sflag:s29], $0x1  }
0xbc: {  	[sflag:s29] =	ssyncadd.s32 $0xFFFFFFFF  }
0xbd: {  	_ =	strace $0x90000048  }
0xbe: {  	_ =	sfence  }
0xbf: {  	s30 =	sld [smem:$0x0];
	_ =	sdelay $0x2  }
0xc0: {  	s31 =	sshll.u32 s1, $0xD;
	s1 =	sshrl.u32 s1, $0x2  }
0xc1: {  	s3 =	sand.u32 $0x4000, s31;
	s1 =	sadd.s32 s1, s30  }
0xc2: {  	s0 =	sor.u32 s3, s0;
	s1 =	sshll.u32 s1, $0x11  }
0xc3: {  	s0 =	sor.u32 s1, s0  }
0xc4: {  	s0 =	sadd.s32 $0x8F2B, s0  }
0xc5: {  	[sflag:s0] =	ssyncadd.remote.s32 $0x1  }
0xc6: {  	_ =	sfence.sel $0xFFFF  }
0xc7: {  	[dreg:$0x0] =	wrdreg $0xFFFFFFFF;
	(pc) =	sbr.abs _section_cstart, $3  }
0xc8: {  	[dreg:$0x1] =	wrdreg $0xFFFFFFFF  }
0xc9: {  	_ =	task.clear_ibuf [dreg:s9], $0x2FFFF;
	_ =	strace $0x9FFFFFFF  }
0xca: {  	(tm) =	ssettm $0x7FFFFFFF  }
0xcb: {  	_ =	shalt  }
tec
execute0_lowered:
.L_overlay_start_1:
0x0: {  	(tag) =	ssettag $0x1  }
0x1: {  	s4 =	rddreg [dreg:$0x0]  }
0x2: {  	s5 =	rddreg [dreg:$0x1]  }
0x3: {  	s6 =	rddreg [dreg:$0x2]  }
0x4: {  	s7 =	rddreg [dreg:$0x3];
	s2 =	srdreg.scid  }
0x5: {  	s0 =	rddreg [dreg:$0x4];
	s1 =	stileid.u32;
	s12 =	simm.s32 $0x900  }
0x6: {  	s13 =	simm.s32 $0x1100;
	s14 =	simm.s32 $0x1900;
	s15 =	simm.s32 $0x2100  }
0x7: {  	s16 =	simm.s32 $0x2900;
	s17 =	simm.s32 $0x3100;
	s18 =	simm.s32 $0x3900  }
0x8: {  	s19 =	simm.s32 $0x1;
	s20 =	simm.s32 $0x2;
	s3 =	sand.u32 $0x1, s2  }
0x9: {  	s2 =	simm.s32 $0x0;
	s8 =	sshll.u32 s1, $0x6;
	s9 =	sshll.u32 s3, $0x5  }
0xa: {  	[smem:$0x7FF] =	sst s2;
	s31 =	ssub.s32 $0x2, s3;
	s3 =	sadd.s32 $0x1200, s4  }
0xb: {  	s8 =	sor.u32 s9, s8;
	_ =	strace $0x80000047;
	s11 =	sshrl.u32 s31, $0x1  }
0xc: {  	s10 =	sshrl.u32 s8, $0x3;
	s9 =	ssub.s32 s31, s11;
	s8 =	sshll.u32 s8, $0x5  }
0xd: {  	v2 =	vlaneseq.u32;
	s11 =	simm.s32 $0x100;
	s4 =	sadd.s32 s10, s4;
	s5 =	sadd.s32 s5, s10  }
0xe: {  	vm0 =	vmmov $0xffff;
	v1 =	vshrl.u32 v2, $0x3;
	s6 =	sadd.s32 s6, s8;
	s7 =	sadd.s32 s7, s8;
	s8 =	smax.u32 s9, $0x1  }
0xf: {  	v0 =	vand.u32 $0x7, v2;
	v2 =	vor.u32 $0x8, v2;
	v1 =	vmul.u32 $0x8, v1;
	s9 =	simm.s32 $0x3;
	s10 =	simm.s32 $0x80;
	s4 =	sadd.s32 $0x5200, s4  }
.LBB2_1:
0x10: {  	[tilespmem:s2], [sflag:$0x3] =	stream.linear.gather [hbm4b:s4+s2], $0x20, $0x38;
	[tilespmem:$0x4100] =	vst v63  }
0x11: {  	_ =	swait.ge [sflag:s9], $0x20  }
0x12: {  	[sflag:s9] =	ssyncset.done $0x0  }
0x13: {  	[sflag:s9] =	ssyncadd.s32 $0xFFFFFFE0  }
0x14: {  	[tilespmem:s10], [sflag:$0x3] =	stream.linear.gather [hbm4b:s5+s2], $0x20, $0x38;
	[tilespmem:$0x4100] =	vst v63  }
0x15: {  	_ =	swait.ge [sflag:s9], $0x20  }
0x16: {  	[sflag:s9] =	ssyncset.done $0x0  }
0x17: {  	[sflag:s9] =	ssyncadd.s32 $0xFFFFFFE0  }
0x18: {  	v3 =	vld [tilespmem:$0x0];
	_ =	sdelay $0x4  }
0x19: {  	v4 =	vshll.u32 v3, $0x1  }
0x1a: {  	v3 =	vand.u32 $0x7, v3;
	v4 =	vand.u32 $0xFFFFFFF0, v4  }
0x1b: {  	v3 =	vor.u32 v3, v4  }
0x1c: {  	v4 =	vperm.xlane v3, v0;
	_ =	sdelay $0x1  }
0x1d: {  	v3 =	vperm.xlane v3, v2;
	v4 =	vadd.s32 v1, v4;
	_ =	sdelay $0x1  }
0x1e: {  	v3 =	vadd.s32 v1, v3;
	_ =	sdelay $0x2  }
0x1f: {  	[tilespmem:s11], [sflag:$0x1] =	stream.indirect_vreg.gather [hbm4b:s3+s2], $0x80, v4, vm0, $0xb8;
	[tilespmem:$0x4100] =	vst v63  }
0x20: {  	_ = 	snop  }
0x21: {  	[tilespmem:s12], [sflag:$0x1] =	stream.indirect_vreg.gather [hbm4b:s3+s2], $0x80, v3, vm0, $0xb8;
	[tilespmem:$0x4100] =	vst v63  }
0x22: {  	v3 =	vld [tilespmem:$0x10];
	_ =	sdelay $0x4  }
0x23: {  	v61 =	vshll.u32 v3, $0x1  }
0x24: {  	v3 =	vand.u32 $0x7, v3;
	v4 =	vand.u32 $0xFFFFFFF0, v61  }
0x25: {  	v3 =	vor.u32 v3, v4  }
0x26: {  	v4 =	vperm.xlane v3, v0;
	_ =	sdelay $0x1  }
0x27: {  	v3 =	vperm.xlane v3, v2;
	v4 =	vadd.s32 v1, v4;
	_ =	sdelay $0x1  }
0x28: {  	v3 =	vadd.s32 v1, v3;
	_ =	sdelay $0x2  }
0x29: {  	[tilespmem:s13], [sflag:$0x1] =	stream.indirect_vreg.gather [hbm4b:s3+s2], $0x80, v4, vm0, $0xb8;
	[tilespmem:$0x4100] =	vst v63  }
0x2a: {  	_ = 	snop  }
0x2b: {  	[tilespmem:s14], [sflag:$0x1] =	stream.indirect_vreg.gather [hbm4b:s3+s2], $0x80, v3, vm0, $0xb8;
	[tilespmem:$0x4100] =	vst v63  }
0x2c: {  	v3 =	vld [tilespmem:$0x80];
	_ =	sdelay $0x4  }
0x2d: {  	v62 =	vshll.u32 v3, $0x1  }
0x2e: {  	v3 =	vand.u32 $0x7, v3;
	v4 =	vand.u32 $0xFFFFFFF0, v62  }
0x2f: {  	v3 =	vor.u32 v3, v4  }
0x30: {  	v4 =	vperm.xlane v3, v0;
	_ =	sdelay $0x1  }
0x31: {  	v3 =	vperm.xlane v3, v2;
	v4 =	vadd.s32 v1, v4;
	_ =	sdelay $0x1  }
0x32: {  	v3 =	vadd.s32 v1, v3;
	_ =	sdelay $0x2  }
0x33: {  	[tilespmem:s15], [sflag:$0x2] =	stream.indirect_vreg.gather [hbm4b:s3+s2], $0x80, v4, vm0, $0xb8;
	[tilespmem:$0x4100] =	vst v63  }
0x34: {  	_ = 	snop  }
0x35: {  	[tilespmem:s16], [sflag:$0x2] =	stream.indirect_vreg.gather [hbm4b:s3+s2], $0x80, v3, vm0, $0xb8;
	[tilespmem:$0x4100] =	vst v63  }
0x36: {  	v3 =	vld [tilespmem:$0x90];
	_ =	sdelay $0x4  }
0x37: {  	v63 =	vshll.u32 v3, $0x1  }
0x38: {  	v3 =	vand.u32 $0x7, v3;
	v4 =	vand.u32 $0xFFFFFFF0, v63  }
0x39: {  	v3 =	vor.u32 v3, v4  }
0x3a: {  	v4 =	vperm.xlane v3, v0;
	_ =	sdelay $0x1  }
0x3b: {  	v3 =	vperm.xlane v3, v2;
	v4 =	vadd.s32 v1, v4;
	_ =	sdelay $0x1  }
0x3c: {  	v3 =	vadd.s32 v1, v3;
	_ =	sdelay $0x2  }
0x3d: {  	[tilespmem:s17], [sflag:$0x2] =	stream.indirect_vreg.gather [hbm4b:s3+s2], $0x80, v4, vm0, $0xb8;
	[tilespmem:$0x4100] =	vst v63  }
0x3e: {  	_ = 	snop  }
0x3f: {  	[tilespmem:s18], [sflag:$0x2] =	stream.indirect_vreg.gather [hbm4b:s3+s2], $0x80, v3, vm0, $0xb8;
	[tilespmem:$0x4100] =	vst v63  }
0x40: {  	_ =	swait.ge [sflag:s19], $0x2000  }
0x41: {  	[sflag:s19] =	ssyncset.done $0x0  }
0x42: {  	[sflag:s19] =	ssyncadd.s32 $0xFFFFE000  }
0x43: {  	[hbm4b:s6+s2] =	stream.linear.scatter [tilespmem:s11], [sflag:$0x1], $0x2000, $0x38;
	[tilespmem:$0x4100] =	vst v63  }
0x44: {  	_ =	swait.ge [sflag:s20], $0x2000  }
0x45: {  	[sflag:s20] =	ssyncset.done $0x0  }
0x46: {  	[sflag:s20] =	ssyncadd.s32 $0xFFFFE000  }
0x47: {  	[hbm4b:s7+s2] =	stream.linear.scatter [tilespmem:s15], [sflag:$0x2], $0x2000, $0x38;
	[tilespmem:$0x4100] =	vst v63  }
0x48: {  	p0 =	sne.s32 s8, $0x1;
	_ =	swait.ge [sflag:s19], $0x2000  }
.Ltmp0:
0x49: {  	[sflag:s19] =	ssyncset.done $0x0;
	(pc) =	sbr.rel @p0 .LBB2_1-.Ltmp0, $4  }
0x4a: {  	[sflag:s19] =	ssyncadd.s32 $0xFFFFE000  }
0x4b: {  	_ =	swait.ge [sflag:s20], $0x2000  }
0x4c: {  	[sflag:s20] =	ssyncset.done $0x0  }
0x4d: {  	s8 =	sadd.s32 $0xFFFFFFFF, s8;
	[sflag:s20] =	ssyncadd.s32 $0xFFFFE000  }
0x4e: {  	_ =	sfence.sel $0x180000  }
0x4f: {  	[bflag:$0x0] =	sbarrier.arrive $0xFFFF  }
0x50: {  	p0 =	sne.s32 s1, $0x0;
	_ =	strace $0x90000047  }
0x51: {  	s0 =	sadd.s32 @!p0 $0x100000, s0;
	[bflag:$0x2] =	sbarrier.arrive $0xFFFF  }
0x52: {  	[sflag:s0] =	ssyncadd.tile.s32 @!p0 $0x1;
	_ =	shalt  }
.Lfunc_end2:
_tile_overlayer_lowered:
.L_overlay_start_2:
0x53: {  	(tag) =	ssettag $0x2  }
0x54: {  	s0 =	rddreg [dreg:$0x0];
	s2 =	stileid.u32  }
0x55: {  	s1 =	rddreg [dreg:$0x1];
	p0 =	sne.s32 s2, $0x0  }
0x56: {  	s3 =	rddreg [dreg:$0x2];
	[bflag:$0x3] =	sbarrier.arrive $0xFFFF;
	s2 =	simm.s32 @!p0 $0x1C03  }
0x57: {  	[timem:s3], [sflag:s2] =	dma.local @!p0 [hbm:s0], s1  }
0x58: {  	s0 =	simm.s32 @!p0 $0x3  }
0x59: {  	_ =	swait.ge @!p0 [sflag:s0], s1  }
0x5a: {  	s1 =	ssub.s32 @!p0 $0x0, s1;
	[sflag:s0] =	ssyncset.done @!p0 $0x0  }
0x5b: {  	[sflag:s0] =	ssyncadd.s32 @!p0 s1  }
0x5c: {  	[bflag:$0x3] =	sbarrier.arrive $0xFFFF  }
0x5d: {  	_ =	shalt  }

</sc_bundles>
